<compile_context>
chip_gen: v7x
topology: tpu7x:2x2x1
jax: 0.10.2.dev20260603
libtpu: 0.0.44.dev20260713+nightly
codegen_flags: <defaults>
</compile_context>

<pallas_src>
import functools

import jax
import jax.numpy as jnp
from jax import lax
from jax.experimental import pallas as pl
from jax.experimental.pallas import tpu as pltpu
from jax.experimental.pallas import tpu_sc as plsc


def _make_sc_kernel(B, H, W, D):
    SUB = (2 * D) // 128
    XS = D // 128
    WB = W // 8
    ROWS = WB * SUB * 8
    mesh = plsc.VectorSubcoreMesh(core_axis_name="c", subcore_axis_name="s")

    @functools.partial(
        pl.kernel,
        mesh=mesh,
        out_type=jax.ShapeDtypeStruct((B * H * ROWS, 128), jnp.float32),
        scratch_types=[
            pltpu.VMEM((4, 128), jnp.int32),
            pltpu.VMEM((4 * ROWS, 128), jnp.float32),
            pltpu.SemaphoreType.DMA,
        ],
    )
    def k(comb_hbm, idx_hbm, out_hbm, idx_v, blk_v, sem):
        wid = lax.axis_index("s") * 2 + lax.axis_index("c")
        qg = wid % 8
        b0 = wid // 8
        h0 = 4 * qg
        pltpu.sync_copy(idx_hbm.at[pl.ds(h0, 4)], idx_v)
        gathers = [
            pltpu.make_async_copy(
                comb_hbm.at[idx_v.at[j]],
                blk_v.at[pl.ds(j * ROWS, ROWS)], sem)
            for j in range(4)
        ]
        for g in gathers:
            g.start()
        for g in gathers:
            g.wait()
        outs = []
        for b in (b0, b0 + 4):
            dst0 = (b * H + h0) * ROWS
            outs.append(pltpu.make_async_copy(
                blk_v, out_hbm.at[pl.ds(dst0, 4 * ROWS)], sem))
        for c in outs:
            c.start()
        for c in outs:
            c.wait()

    return k


def kernel(row_embeddings, column_embeddings, x):
    batch, _, height, width = x.shape
    D = row_embeddings.shape[1]
    C = 2 * D
    XS = D // 128
    colP = column_embeddings[:width].reshape(width * XS, 128)
    rowP = row_embeddings[:height].reshape(height * XS, 128)
    comb = jnp.concatenate([colP, rowP], axis=0)
    idx_tab = []
    for h in range(height):
        idx_h = []
        for j in range(128):
            wb, r = divmod(j, 4 * 8)
            cb, w8 = divmod(r, 8)
            if cb < XS:
                idx_h.append(XS * (8 * wb + w8) + cb)
            else:
                idx_h.append(width * XS + XS * h + cb - XS)
        idx_tab.append(idx_h)
    idx_tab = jnp.asarray(idx_tab, dtype=jnp.int32)
    k = _make_sc_kernel(batch, height, width, D)
    out = k(comb, idx_tab)
    out6 = out.reshape(batch, height, width // 8, C // 128, 8, 128)
    return out6.transpose(0, 3, 5, 1, 2, 4).reshape(batch, C, height, width)

# --- scband reference (transcript-rebuilt; emitter-appended) ---
"""Pipeline reference for scband-detr-learned-position-embedding-45389214384702 (READ-ONLY COPY).

The authoritative reference and input builder live on the scoring server;
editing this copy changes nothing except your own understanding.
"""

import jax, jax.numpy as jnp
import numpy as np


def setup_inputs(seed: int = 0) -> dict:
    key = jax.random.key(seed)
    k1, k2 = jax.random.split(key)
    row_embeddings = jax.random.normal(k1, (50, 256), dtype=jnp.float32) * 0.02
    column_embeddings = jax.random.normal(k2, (50, 256), dtype=jnp.float32) * 0.02
    x = jnp.zeros((8, 256, 32, 32), dtype=jnp.float32)
    return {"row_embeddings": row_embeddings, "column_embeddings": column_embeddings, "x": x}


def reference(row_embeddings, column_embeddings, x):
    # x only supplies (batch, _, height, width) -- mirrors torch forward(shape=x.shape, ...)
    batch, _, height, width = x.shape
    width_values = jnp.arange(width)
    height_values = jnp.arange(height)
    x_emb = jnp.take(column_embeddings, width_values, axis=0)   # [W, D]
    y_emb = jnp.take(row_embeddings, height_values, axis=0)     # [H, D]
    x_part = jnp.broadcast_to(x_emb[None, :, :], (height, width, x_emb.shape[-1]))
    y_part = jnp.broadcast_to(y_emb[:, None, :], (height, width, y_emb.shape[-1]))
    pos = jnp.concatenate([x_part, y_part], axis=-1)            # [H, W, 2D]
    pos = jnp.transpose(pos, (2, 0, 1))                         # [2D, H, W]
    pos = jnp.broadcast_to(pos[None], (batch,) + pos.shape)     # [B, 2D, H, W]
    return pos

if __name__ == "__main__":
    import jax
    _d = setup_inputs()
    print(jax.jit(kernel)(*tuple(_d.values())))

</pallas_src>

<mosaic_0001>
#map = affine_map<(d0, d1) -> (0, 0)>
module attributes {stable_mosaic.version = 14 : i64} {
  func.func @k(%arg0: i32, %arg1: i32, %arg2: memref<128x128xf32, #tpu.memory_space<hbm>>, %arg3: memref<32x128xi32, #tpu.memory_space<hbm>>, %arg4: memref<32768x128xf32, #tpu.memory_space<hbm>>, %arg5: memref<4x128xi32, #tpu.memory_space<vmem>>, %arg6: memref<512x128xf32, #tpu.memory_space<vmem>>, %arg7: memref<!tpu.dma_semaphore, #tpu.memory_space<semaphore_mem>>) attributes {dimension_semantics = [#tpu.dimension_semantics<core_parallel>, #tpu.dimension_semantics<subcore_parallel>], iteration_bounds = array<i64: 2, 16>, scalar_prefetch = 0 : i64, scratch_operands = 3 : i64, tpu.core_type = #tpu.core_type<sc_vector_subcore>, window_params = [{transform_indices = #map}, {transform_indices = #map}, {transform_indices = #map}]} {
    %mul3A = arith.constant 2 : i32
    %mul3A_0 = arith.muli %arg1, %mul3A : i32
    %add3A = arith.addi %mul3A_0, %arg0 : i32
    %jit3A = arith.constant 8 : i32
    %eq3A = arith.constant 0 : i32
    %eq3A_1 = arith.cmpi eq, %jit3A, %eq3A : i32
    %jit3A_2 = arith.constant 1 : i32
    %select_n3A = arith.select %eq3A_1, %jit3A_2, %jit3A : i32
    %rem3A = arith.remsi %add3A, %select_n3A : i32
    %ne3A = arith.constant 0 : i32
    %ne3A_3 = arith.cmpi ne, %rem3A, %ne3A : i32
    %lt3A = arith.constant 0 : i32
    %lt3A_4 = arith.cmpi slt, %rem3A, %lt3A : i32
    %lt3A_5 = arith.constant 0 : i32
    %lt3A_6 = arith.cmpi slt, %select_n3A, %lt3A_5 : i32
    %ne3A_7 = arith.xori %lt3A_4, %lt3A_6 : i1
    %and3A = arith.andi %ne3A_7, %ne3A_3 : i1
    %add3A_8 = arith.addi %rem3A, %select_n3A : i32
    %select_n3A_9 = arith.select %and3A, %add3A_8, %rem3A : i32
    %jit3A_10 = arith.constant 8 : i32
    %div3A = arith.divsi %add3A, %jit3A_10 : i32
    %sign3A = arith.constant 0 : i32
    %sign3A_11 = arith.cmpi sgt, %add3A, %sign3A : i32
    %sign3A_12 = arith.extui %sign3A_11 : i1 to i32
    %sign3A_13 = arith.constant 0 : i32
    %sign3A_14 = arith.cmpi slt, %add3A, %sign3A_13 : i32
    %sign3A_15 = arith.extui %sign3A_14 : i1 to i32
    %sign3A_16 = arith.subi %sign3A_12, %sign3A_15 : i32
    %sign3A_17 = arith.constant 0 : i32
    %sign3A_18 = arith.cmpi sgt, %jit3A_10, %sign3A_17 : i32
    %sign3A_19 = arith.extui %sign3A_18 : i1 to i32
    %sign3A_20 = arith.constant 0 : i32
    %sign3A_21 = arith.cmpi slt, %jit3A_10, %sign3A_20 : i32
    %sign3A_22 = arith.extui %sign3A_21 : i1 to i32
    %sign3A_23 = arith.subi %sign3A_19, %sign3A_22 : i32
    %ne3A_24 = arith.cmpi ne, %sign3A_16, %sign3A_23 : i32
    %rem3A_25 = arith.remsi %add3A, %jit3A_10 : i32
    %ne3A_26 = arith.constant 0 : i32
    %ne3A_27 = arith.cmpi ne, %rem3A_25, %ne3A_26 : i32
    %and3A_28 = arith.andi %ne3A_24, %ne3A_27 : i1
    %sub3A = arith.constant 1 : i32
    %sub3A_29 = arith.subi %div3A, %sub3A : i32
    %select_n3A_30 = arith.select %and3A_28, %sub3A_29, %div3A : i32
    %mul3A_31 = arith.constant 4 : i32
    %mul3A_32 = arith.muli %mul3A_31, %select_n3A_9 : i32
    "tpu.region"() ({
      %run_scoped3A = tpu.sem_alloc : memref<!tpu.dma_semaphore, #tpu.memory_space<semaphore_mem>>
      %dma_start3A_139 = arith.constant 0 : i32
      %dma_start3A_140 = tpu.memref_slice %arg3[%mul3A_32, %dma_start3A_139] : memref<32x128xi32, #tpu.memory_space<hbm>> -> memref<4x128xi32, #tpu.memory_space<hbm>>
      %dma_start3A_141 = arith.constant 0 : i32
      %dma_start3A_142 = tpu.memref_slice %arg3[%mul3A_32, %dma_start3A_141] : memref<32x128xi32, #tpu.memory_space<hbm>> -> memref<4x128xi32, #tpu.memory_space<hbm>>
      tpu.enqueue_dma source(%dma_start3A_142 : memref<4x128xi32, #tpu.memory_space<hbm>>) target(%arg5 : memref<4x128xi32, #tpu.memory_space<vmem>>) target_semaphore(%run_scoped3A : memref<!tpu.dma_semaphore, #tpu.memory_space<semaphore_mem>>)
      %dma_wait3A_143 = arith.constant 0 : i32
      %dma_wait3A_144 = tpu.memref_slice %arg3[%mul3A_32, %dma_wait3A_143] : memref<32x128xi32, #tpu.memory_space<hbm>> -> memref<4x128xi32, #tpu.memory_space<hbm>>
      %dma_wait3A_145 = arith.constant 0 : i32
      %dma_wait3A_146 = tpu.memref_slice %arg3[%mul3A_32, %dma_wait3A_145] : memref<32x128xi32, #tpu.memory_space<hbm>> -> memref<4x128xi32, #tpu.memory_space<hbm>>
      tpu.wait_dma2 semaphore(%run_scoped3A : memref<!tpu.dma_semaphore, #tpu.memory_space<semaphore_mem>>) src(%dma_wait3A_146 : memref<4x128xi32, #tpu.memory_space<hbm>>) dst(%arg5 : memref<4x128xi32, #tpu.memory_space<vmem>>)
      tpu.yield
    }) : () -> ()
    %dma_start3A = arith.constant 0 : i32
    %dma_start3A_33 = arith.constant 0 : i32
    %dma_start3A_34 = arith.constant 0 : i32
    %dma_start3A_35 = tpu.memref_slice %arg6[%dma_start3A_33, %dma_start3A_34] : memref<512x128xf32, #tpu.memory_space<vmem>> -> memref<128x128xf32, #tpu.memory_space<vmem>>
    %dma_start3A_36 = arith.constant 0 : i32
    %dma_start3A_37 = tpu.memref_slice %arg5[%dma_start3A, %dma_start3A_36] : memref<4x128xi32, #tpu.memory_space<vmem>> -> memref<1x128xi32, #tpu.memory_space<vmem>>
    %dma_start3A_38 = tpu.memref_squeeze %dma_start3A_37 : memref<1x128xi32, #tpu.memory_space<vmem>> -> memref<128xi32, #tpu.memory_space<vmem>>
    %dma_start3A_39 = arith.constant 0 : i32
    %dma_start3A_40 = arith.constant 0 : i32
    %dma_start3A_41 = tpu.memref_slice %arg2[%dma_start3A_39, %dma_start3A_40] : memref<128x128xf32, #tpu.memory_space<hbm>> -> memref<128x128xf32, #tpu.memory_space<hbm>>
    tpu.enqueue_indirect_dma source(%dma_start3A_41 : memref<128x128xf32, #tpu.memory_space<hbm>>) target(%dma_start3A_35 : memref<128x128xf32, #tpu.memory_space<vmem>>) offsets(%dma_start3A_38 : memref<128xi32, #tpu.memory_space<vmem>>) semaphore(%arg7 : memref<!tpu.dma_semaphore, #tpu.memory_space<semaphore_mem>>)
    %dma_start3A_42 = arith.constant 1 : i32
    %dma_start3A_43 = arith.constant 128 : i32
    %dma_start3A_44 = arith.constant 0 : i32
    %dma_start3A_45 = tpu.memref_slice %arg6[%dma_start3A_43, %dma_start3A_44] : memref<512x128xf32, #tpu.memory_space<vmem>> -> memref<128x128xf32, #tpu.memory_space<vmem>>
    %dma_start3A_46 = arith.constant 0 : i32
    %dma_start3A_47 = tpu.memref_slice %arg5[%dma_start3A_42, %dma_start3A_46] : memref<4x128xi32, #tpu.memory_space<vmem>> -> memref<1x128xi32, #tpu.memory_space<vmem>>
    %dma_start3A_48 = tpu.memref_squeeze %dma_start3A_47 : memref<1x128xi32, #tpu.memory_space<vmem>> -> memref<128xi32, #tpu.memory_space<vmem>>
    %dma_start3A_49 = arith.constant 0 : i32
    %dma_start3A_50 = arith.constant 0 : i32
    %dma_start3A_51 = tpu.memref_slice %arg2[%dma_start3A_49, %dma_start3A_50] : memref<128x128xf32, #tpu.memory_space<hbm>> -> memref<128x128xf32, #tpu.memory_space<hbm>>
    tpu.enqueue_indirect_dma source(%dma_start3A_51 : memref<128x128xf32, #tpu.memory_space<hbm>>) target(%dma_start3A_45 : memref<128x128xf32, #tpu.memory_space<vmem>>) offsets(%dma_start3A_48 : memref<128xi32, #tpu.memory_space<vmem>>) semaphore(%arg7 : memref<!tpu.dma_semaphore, #tpu.memory_space<semaphore_mem>>)
    %dma_start3A_52 = arith.constant 2 : i32
    %dma_start3A_53 = arith.constant 256 : i32
    %dma_start3A_54 = arith.constant 0 : i32
    %dma_start3A_55 = tpu.memref_slice %arg6[%dma_start3A_53, %dma_start3A_54] : memref<512x128xf32, #tpu.memory_space<vmem>> -> memref<128x128xf32, #tpu.memory_space<vmem>>
    %dma_start3A_56 = arith.constant 0 : i32
    %dma_start3A_57 = tpu.memref_slice %arg5[%dma_start3A_52, %dma_start3A_56] : memref<4x128xi32, #tpu.memory_space<vmem>> -> memref<1x128xi32, #tpu.memory_space<vmem>>
    %dma_start3A_58 = tpu.memref_squeeze %dma_start3A_57 : memref<1x128xi32, #tpu.memory_space<vmem>> -> memref<128xi32, #tpu.memory_space<vmem>>
    %dma_start3A_59 = arith.constant 0 : i32
    %dma_start3A_60 = arith.constant 0 : i32
    %dma_start3A_61 = tpu.memref_slice %arg2[%dma_start3A_59, %dma_start3A_60] : memref<128x128xf32, #tpu.memory_space<hbm>> -> memref<128x128xf32, #tpu.memory_space<hbm>>
    tpu.enqueue_indirect_dma source(%dma_start3A_61 : memref<128x128xf32, #tpu.memory_space<hbm>>) target(%dma_start3A_55 : memref<128x128xf32, #tpu.memory_space<vmem>>) offsets(%dma_start3A_58 : memref<128xi32, #tpu.memory_space<vmem>>) semaphore(%arg7 : memref<!tpu.dma_semaphore, #tpu.memory_space<semaphore_mem>>)
    %dma_start3A_62 = arith.constant 3 : i32
    %dma_start3A_63 = arith.constant 384 : i32
    %dma_start3A_64 = arith.constant 0 : i32
    %dma_start3A_65 = tpu.memref_slice %arg6[%dma_start3A_63, %dma_start3A_64] : memref<512x128xf32, #tpu.memory_space<vmem>> -> memref<128x128xf32, #tpu.memory_space<vmem>>
    %dma_start3A_66 = arith.constant 0 : i32
    %dma_start3A_67 = tpu.memref_slice %arg5[%dma_start3A_62, %dma_start3A_66] : memref<4x128xi32, #tpu.memory_space<vmem>> -> memref<1x128xi32, #tpu.memory_space<vmem>>
    %dma_start3A_68 = tpu.memref_squeeze %dma_start3A_67 : memref<1x128xi32, #tpu.memory_space<vmem>> -> memref<128xi32, #tpu.memory_space<vmem>>
    %dma_start3A_69 = arith.constant 0 : i32
    %dma_start3A_70 = arith.constant 0 : i32
    %dma_start3A_71 = tpu.memref_slice %arg2[%dma_start3A_69, %dma_start3A_70] : memref<128x128xf32, #tpu.memory_space<hbm>> -> memref<128x128xf32, #tpu.memory_space<hbm>>
    tpu.enqueue_indirect_dma source(%dma_start3A_71 : memref<128x128xf32, #tpu.memory_space<hbm>>) target(%dma_start3A_65 : memref<128x128xf32, #tpu.memory_space<vmem>>) offsets(%dma_start3A_68 : memref<128xi32, #tpu.memory_space<vmem>>) semaphore(%arg7 : memref<!tpu.dma_semaphore, #tpu.memory_space<semaphore_mem>>)
    %dma_wait3A = arith.constant 0 : i32
    %dma_wait3A_72 = arith.constant 0 : i32
    %dma_wait3A_73 = arith.constant 0 : i32
    %dma_wait3A_74 = tpu.memref_slice %arg6[%dma_wait3A_72, %dma_wait3A_73] : memref<512x128xf32, #tpu.memory_space<vmem>> -> memref<128x128xf32, #tpu.memory_space<vmem>>
    %dma_wait3A_75 = arith.constant 0 : i32
    %dma_wait3A_76 = tpu.memref_slice %arg5[%dma_wait3A, %dma_wait3A_75] : memref<4x128xi32, #tpu.memory_space<vmem>> -> memref<1x128xi32, #tpu.memory_space<vmem>>
    %dma_wait3A_77 = tpu.memref_squeeze %dma_wait3A_76 : memref<1x128xi32, #tpu.memory_space<vmem>> -> memref<128xi32, #tpu.memory_space<vmem>>
    %dma_wait3A_78 = arith.constant 0 : i32
    %dma_wait3A_79 = arith.constant 0 : i32
    %dma_wait3A_80 = tpu.memref_slice %arg2[%dma_wait3A_78, %dma_wait3A_79] : memref<128x128xf32, #tpu.memory_space<hbm>> -> memref<128x128xf32, #tpu.memory_space<hbm>>
    tpu.wait_indirect_dma semaphore(%arg7 : memref<!tpu.dma_semaphore, #tpu.memory_space<semaphore_mem>>) src(%dma_wait3A_80 : memref<128x128xf32, #tpu.memory_space<hbm>>) dst(%dma_wait3A_74 : memref<128x128xf32, #tpu.memory_space<vmem>>)
    %dma_wait3A_81 = arith.constant 1 : i32
    %dma_wait3A_82 = arith.constant 128 : i32
    %dma_wait3A_83 = arith.constant 0 : i32
    %dma_wait3A_84 = tpu.memref_slice %arg6[%dma_wait3A_82, %dma_wait3A_83] : memref<512x128xf32, #tpu.memory_space<vmem>> -> memref<128x128xf32, #tpu.memory_space<vmem>>
    %dma_wait3A_85 = arith.constant 0 : i32
    %dma_wait3A_86 = tpu.memref_slice %arg5[%dma_wait3A_81, %dma_wait3A_85] : memref<4x128xi32, #tpu.memory_space<vmem>> -> memref<1x128xi32, #tpu.memory_space<vmem>>
    %dma_wait3A_87 = tpu.memref_squeeze %dma_wait3A_86 : memref<1x128xi32, #tpu.memory_space<vmem>> -> memref<128xi32, #tpu.memory_space<vmem>>
    %dma_wait3A_88 = arith.constant 0 : i32
    %dma_wait3A_89 = arith.constant 0 : i32
    %dma_wait3A_90 = tpu.memref_slice %arg2[%dma_wait3A_88, %dma_wait3A_89] : memref<128x128xf32, #tpu.memory_space<hbm>> -> memref<128x128xf32, #tpu.memory_space<hbm>>
    tpu.wait_indirect_dma semaphore(%arg7 : memref<!tpu.dma_semaphore, #tpu.memory_space<semaphore_mem>>) src(%dma_wait3A_90 : memref<128x128xf32, #tpu.memory_space<hbm>>) dst(%dma_wait3A_84 : memref<128x128xf32, #tpu.memory_space<vmem>>)
    %dma_wait3A_91 = arith.constant 2 : i32
    %dma_wait3A_92 = arith.constant 256 : i32
    %dma_wait3A_93 = arith.constant 0 : i32
    %dma_wait3A_94 = tpu.memref_slice %arg6[%dma_wait3A_92, %dma_wait3A_93] : memref<512x128xf32, #tpu.memory_space<vmem>> -> memref<128x128xf32, #tpu.memory_space<vmem>>
    %dma_wait3A_95 = arith.constant 0 : i32
    %dma_wait3A_96 = tpu.memref_slice %arg5[%dma_wait3A_91, %dma_wait3A_95] : memref<4x128xi32, #tpu.memory_space<vmem>> -> memref<1x128xi32, #tpu.memory_space<vmem>>
    %dma_wait3A_97 = tpu.memref_squeeze %dma_wait3A_96 : memref<1x128xi32, #tpu.memory_space<vmem>> -> memref<128xi32, #tpu.memory_space<vmem>>
    %dma_wait3A_98 = arith.constant 0 : i32
    %dma_wait3A_99 = arith.constant 0 : i32
    %dma_wait3A_100 = tpu.memref_slice %arg2[%dma_wait3A_98, %dma_wait3A_99] : memref<128x128xf32, #tpu.memory_space<hbm>> -> memref<128x128xf32, #tpu.memory_space<hbm>>
    tpu.wait_indirect_dma semaphore(%arg7 : memref<!tpu.dma_semaphore, #tpu.memory_space<semaphore_mem>>) src(%dma_wait3A_100 : memref<128x128xf32, #tpu.memory_space<hbm>>) dst(%dma_wait3A_94 : memref<128x128xf32, #tpu.memory_space<vmem>>)
    %dma_wait3A_101 = arith.constant 3 : i32
    %dma_wait3A_102 = arith.constant 384 : i32
    %dma_wait3A_103 = arith.constant 0 : i32
    %dma_wait3A_104 = tpu.memref_slice %arg6[%dma_wait3A_102, %dma_wait3A_103] : memref<512x128xf32, #tpu.memory_space<vmem>> -> memref<128x128xf32, #tpu.memory_space<vmem>>
    %dma_wait3A_105 = arith.constant 0 : i32
    %dma_wait3A_106 = tpu.memref_slice %arg5[%dma_wait3A_101, %dma_wait3A_105] : memref<4x128xi32, #tpu.memory_space<vmem>> -> memref<1x128xi32, #tpu.memory_space<vmem>>
    %dma_wait3A_107 = tpu.memref_squeeze %dma_wait3A_106 : memref<1x128xi32, #tpu.memory_space<vmem>> -> memref<128xi32, #tpu.memory_space<vmem>>
    %dma_wait3A_108 = arith.constant 0 : i32
    %dma_wait3A_109 = arith.constant 0 : i32
    %dma_wait3A_110 = tpu.memref_slice %arg2[%dma_wait3A_108, %dma_wait3A_109] : memref<128x128xf32, #tpu.memory_space<hbm>> -> memref<128x128xf32, #tpu.memory_space<hbm>>
    tpu.wait_indirect_dma semaphore(%arg7 : memref<!tpu.dma_semaphore, #tpu.memory_space<semaphore_mem>>) src(%dma_wait3A_110 : memref<128x128xf32, #tpu.memory_space<hbm>>) dst(%dma_wait3A_104 : memref<128x128xf32, #tpu.memory_space<vmem>>)
    %add3A_111 = arith.constant 4 : i32
    %add3A_112 = arith.addi %select_n3A_30, %add3A_111 : i32
    %mul3A_113 = arith.constant 32 : i32
    %mul3A_114 = arith.muli %select_n3A_30, %mul3A_113 : i32
    %add3A_115 = arith.addi %mul3A_114, %mul3A_32 : i32
    %mul3A_116 = arith.constant 128 : i32
    %mul3A_117 = arith.muli %add3A_115, %mul3A_116 : i32
    %mul3A_118 = arith.constant 32 : i32
    %mul3A_119 = arith.muli %add3A_112, %mul3A_118 : i32
    %add3A_120 = arith.addi %mul3A_119, %mul3A_32 : i32
    %mul3A_121 = arith.constant 128 : i32
    %mul3A_122 = arith.muli %add3A_120, %mul3A_121 : i32
    %dma_start3A_123 = arith.constant 0 : i32
    %dma_start3A_124 = tpu.memref_slice %arg4[%mul3A_117, %dma_start3A_123] : memref<32768x128xf32, #tpu.memory_space<hbm>> -> memref<512x128xf32, #tpu.memory_space<hbm>>
    %dma_start3A_125 = arith.constant 0 : i32
    %dma_start3A_126 = tpu.memref_slice %arg4[%mul3A_117, %dma_start3A_125] : memref<32768x128xf32, #tpu.memory_space<hbm>> -> memref<512x128xf32, #tpu.memory_space<hbm>>
    tpu.enqueue_dma source(%arg6 : memref<512x128xf32, #tpu.memory_space<vmem>>) target(%dma_start3A_126 : memref<512x128xf32, #tpu.memory_space<hbm>>) target_semaphore(%arg7 : memref<!tpu.dma_semaphore, #tpu.memory_space<semaphore_mem>>)
    %dma_start3A_127 = arith.constant 0 : i32
    %dma_start3A_128 = tpu.memref_slice %arg4[%mul3A_122, %dma_start3A_127] : memref<32768x128xf32, #tpu.memory_space<hbm>> -> memref<512x128xf32, #tpu.memory_space<hbm>>
    %dma_start3A_129 = arith.constant 0 : i32
    %dma_start3A_130 = tpu.memref_slice %arg4[%mul3A_122, %dma_start3A_129] : memref<32768x128xf32, #tpu.memory_space<hbm>> -> memref<512x128xf32, #tpu.memory_space<hbm>>
    tpu.enqueue_dma source(%arg6 : memref<512x128xf32, #tpu.memory_space<vmem>>) target(%dma_start3A_130 : memref<512x128xf32, #tpu.memory_space<hbm>>) target_semaphore(%arg7 : memref<!tpu.dma_semaphore, #tpu.memory_space<semaphore_mem>>)
    %dma_wait3A_131 = arith.constant 0 : i32
    %dma_wait3A_132 = tpu.memref_slice %arg4[%mul3A_117, %dma_wait3A_131] : memref<32768x128xf32, #tpu.memory_space<hbm>> -> memref<512x128xf32, #tpu.memory_space<hbm>>
    %dma_wait3A_133 = arith.constant 0 : i32
    %dma_wait3A_134 = tpu.memref_slice %arg4[%mul3A_117, %dma_wait3A_133] : memref<32768x128xf32, #tpu.memory_space<hbm>> -> memref<512x128xf32, #tpu.memory_space<hbm>>
    tpu.wait_dma2 semaphore(%arg7 : memref<!tpu.dma_semaphore, #tpu.memory_space<semaphore_mem>>) src(%arg6 : memref<512x128xf32, #tpu.memory_space<vmem>>) dst(%dma_wait3A_134 : memref<512x128xf32, #tpu.memory_space<hbm>>)
    %dma_wait3A_135 = arith.constant 0 : i32
    %dma_wait3A_136 = tpu.memref_slice %arg4[%mul3A_122, %dma_wait3A_135] : memref<32768x128xf32, #tpu.memory_space<hbm>> -> memref<512x128xf32, #tpu.memory_space<hbm>>
    %dma_wait3A_137 = arith.constant 0 : i32
    %dma_wait3A_138 = tpu.memref_slice %arg4[%mul3A_122, %dma_wait3A_137] : memref<32768x128xf32, #tpu.memory_space<hbm>> -> memref<512x128xf32, #tpu.memory_space<hbm>>
    tpu.wait_dma2 semaphore(%arg7 : memref<!tpu.dma_semaphore, #tpu.memory_space<semaphore_mem>>) src(%arg6 : memref<512x128xf32, #tpu.memory_space<vmem>>) dst(%dma_wait3A_138 : memref<512x128xf32, #tpu.memory_space<hbm>>)
    return
  }
}

</mosaic_0001>

<sc_bundles>
// kernel: kernel.3.cloned.1.call-start
scs
__scs_entry_jumppad:
0x0: {  	(pc) =	sbr.rel $0x88, $3  }
0x1: {  	(tag) =	ssettag $0x0;
	lr =	simm.s32 $0x1  }
0x2: {  	[smem:$0x3F9F] =	sst lr;
	_ =	strace $0xD0000000  }
0x3: {  	_ = 	snop  }
0x4: {  	_ = 	snop  }
0x5: {  	_ = 	snop  }
0x6: {  	_ = 	snop  }
0x7: {  	_ = 	snop  }
__scs_overlays_trampoline_lowered:
0x8: {  	[smem:$0x3FAE] =	sst s0  }
0x9: {  	[smem:$0x3FAF] =	sst s1  }
0xa: {  	[smem:$0x3FB0] =	sst s2  }
0xb: {  	[smem:$0x3FB1] =	sst s3  }
0xc: {  	[smem:$0x3FB2] =	sst s4  }
0xd: {  	[smem:$0x3FB3] =	sst s5  }
0xe: {  	[smem:$0x3FB4] =	sst s6  }
0xf: {  	[smem:$0x3FB5] =	sst s7  }
0x10: {  	[smem:$0x3FB6] =	sst s8  }
0x11: {  	[smem:$0x3FB7] =	sst s9;
	s0 =	simm.s32 @!p0 $0x0  }
0x12: {  	s1 =	sld [smem:$0x3F9D];
	s0 =	simm.s32 @p0 $0x1  }
0x13: {  	[smem:$0x3FB8] =	sst s0;
	s0 =	simm.s32 @!p1 $0x0  }
0x14: {  	s2 =	sld [smem:$0x3F9C];
	s0 =	simm.s32 @p1 $0x1  }
0x15: {  	[smem:$0x3FB9] =	sst s0;
	s0 =	simm.s32 @!p2 $0x0  }
0x16: {  	s3 =	sld [smem:$0x3FDB];
	s0 =	simm.s32 @p2 $0x1  }
0x17: {  	s4 =	simm.s32 $0x1BF5;
	[smem:$0x3FBB] =	sst s0  }
0x18: {  	s0 =	sld [smem:$0x3F9E];
	_ =	swait.ge [sflag:s4], $0x0  }
0x19: {  	s7 =	sld [smem:$0x3F9F]  }
0x1a: {  	s8 =	sadd.s32 $0xFFFFE003, lr  }
0x1b: {  	s9 =	sadd.s32 $0xFFFFFEF7, lr;
	s5 =	simm.s32 $0xFFFFFFFF;
	p2 =	slt.u32 s8, $0xFFFFF086  }
0x1c: {  	p1 =	slt.u32 s9, $0xF7A;
	s5 =	simm.s32 @!p2 $0x0  }
0x1d: {  	s5 =	simm.s32 @p1 $0x1;
	p0 =	seq.s32 s7, s2  }
0x1e: {  	s7 =	smul.u32 @!p0 $0xF7A, s2;
	p2 =	seq.s32 @!p0 s5, $0x0  }
0x1f: {  	s9 =	smul.u32 $0xF7A, s1;
	s8 =	simm.s32 @!p0 $0x1BF5;
	p2 =	por !p2, p0  }
0x20: {  	[sflag:s8] =	ssyncset.s32 @!p0 $0xFFFFF086;
	s6 =	sadd.s32 @!p0 s3, s7;
	s7 =	simm.s32 @!p0 $0x108  }
0x21: {  	s3 =	sadd.s32 s3, s9;
	s6 =	sadd.s32 @!p0 $0x88, s6;
	s7 =	simm.s32 @p2 $0x1082  }
0x22: {  	[simem:s7], [sflag:s8] =	dma.local @!p0 [hbm:s6], $0xF7A  }
0x23: {  	s9 =	sor.u32 $0xD0000000, s2;
	s6 =	simm.s32 $0x108;
	_ =	swait.ge @!p0 [sflag:s8], $0x0  }
0x24: {  	s3 =	sadd.s32 $0x88, s3;
	s6 =	simm.s32 @!p1 $0x1082;
	[sflag:s4] =	ssyncset.s32 $0xFFFFF086  }
0x25: {  	[simem:s6], [sflag:s4] =	dma.local [hbm:s3], $0xF7A  }
0x26: {  	[smem:$0x3F9F] =	sst s1;
	(tag) =	ssettag s2;
	_ =	strace s9  }
0x27: {  	s1 =	sld [smem:$0x3FAF]  }
0x28: {  	s2 =	sld [smem:$0x3FB0]  }
0x29: {  	s4 =	sld [smem:$0x3FB2]  }
0x2a: {  	p0 =	seq.s32 s5, $0x0;
	s5 =	sld [smem:$0x3FB3]  }
0x2b: {  	s6 =	sld [smem:$0x3FB4]  }
0x2c: {  	s7 =	sld [smem:$0x3FB5]  }
0x2d: {  	s3 =	simm.s32 $0x108;
	s8 =	sld [smem:$0x3FB6]  }
0x2e: {  	s3 =	simm.s32 @!p0 $0x1082;
	s9 =	sld [smem:$0x3FB7]  }
0x2f: {  	lr =	sadd.s32 s0, s3;
	s0 =	sld [smem:$0x3FAE]  }
0x30: {  	s3 =	sld [smem:$0x3FB1]  }
0x31: {  	[smem:$0x3FBA] =	sst s10  }
0x32: {  	s10 =	sld [smem:$0x3FB8];
	_ =	sdelay $0x3  }
0x33: {  	p0 =	seq.s32 s10, $0x1;
	s10 =	sld [smem:$0x3FBA];
	_ =	sdelay $0x3  }
0x34: {  	[smem:$0x3FBA] =	sst s10  }
0x35: {  	s10 =	sld [smem:$0x3FB9];
	_ =	sdelay $0x3  }
0x36: {  	p1 =	seq.s32 s10, $0x1;
	s10 =	sld [smem:$0x3FBA];
	_ =	sdelay $0x3  }
0x37: {  	[smem:$0x3FBA] =	sst s10  }
0x38: {  	s10 =	sld [smem:$0x3FBB]  }
0x39: {  	_ = 	snop;
	(pc) =	sbr.ind lr, $3  }
0x3a: {  	_ = 	snop  }
0x3b: {  	_ = 	snop  }
0x3c: {  	p2 =	seq.s32 s10, $0x1;
	s10 =	sld [smem:$0x3FBA]  }
0x3d: {  	_ =	shalt  }
0x3e: {  	_ =	shalt  }
0x3f: {  	_ =	shalt  }
0x40: {  	_ =	shalt  }
0x41: {  	_ =	shalt  }
0x42: {  	_ =	shalt  }
0x43: {  	_ =	shalt  }
0x44: {  	_ =	shalt  }
0x45: {  	_ =	shalt  }
0x46: {  	_ =	shalt  }
0x47: {  	_ =	shalt  }
0x48: {  	_ =	shalt  }
0x49: {  	_ =	shalt  }
0x4a: {  	_ =	shalt  }
0x4b: {  	_ =	shalt  }
0x4c: {  	_ =	shalt  }
0x4d: {  	_ =	shalt  }
0x4e: {  	_ =	shalt  }
0x4f: {  	_ =	shalt  }
0x50: {  	_ =	shalt  }
0x51: {  	_ =	shalt  }
0x52: {  	_ =	shalt  }
0x53: {  	_ =	shalt  }
0x54: {  	_ =	shalt  }
0x55: {  	_ =	shalt  }
0x56: {  	_ =	shalt  }
0x57: {  	_ =	shalt  }
0x58: {  	_ =	shalt  }
0x59: {  	_ =	shalt  }
0x5a: {  	_ =	shalt  }
0x5b: {  	_ =	shalt  }
0x5c: {  	_ =	shalt  }
0x5d: {  	_ =	shalt  }
0x5e: {  	_ =	shalt  }
0x5f: {  	_ =	shalt  }
0x60: {  	_ =	shalt  }
0x61: {  	_ =	shalt  }
0x62: {  	_ =	shalt  }
0x63: {  	_ =	shalt  }
0x64: {  	_ =	shalt  }
0x65: {  	_ =	shalt  }
0x66: {  	_ =	shalt  }
0x67: {  	_ =	shalt  }
0x68: {  	_ =	shalt  }
0x69: {  	_ =	shalt  }
0x6a: {  	_ =	shalt  }
0x6b: {  	_ =	shalt  }
0x6c: {  	_ =	shalt  }
0x6d: {  	_ =	shalt  }
0x6e: {  	_ =	shalt  }
0x6f: {  	_ =	shalt  }
0x70: {  	_ =	shalt  }
0x71: {  	_ =	shalt  }
0x72: {  	_ =	shalt  }
0x73: {  	_ =	shalt  }
0x74: {  	_ =	shalt  }
0x75: {  	_ =	shalt  }
0x76: {  	_ =	shalt  }
0x77: {  	_ =	shalt  }
0x78: {  	_ =	shalt  }
0x79: {  	_ =	shalt  }
0x7a: {  	_ =	shalt  }
0x7b: {  	_ =	shalt  }
0x7c: {  	_ =	shalt  }
0x7d: {  	_ =	shalt  }
0x7e: {  	_ =	shalt  }
0x7f: {  	_ =	shalt  }
0x80: {  	_ =	shalt  }
0x81: {  	_ =	shalt  }
0x82: {  	_ =	shalt  }
0x83: {  	_ =	shalt  }
0x84: {  	_ =	shalt  }
0x85: {  	_ =	shalt  }
0x86: {  	_ =	shalt  }
0x87: {  	_ =	shalt  }
.Lfunc_end0:
.L_simem_size_0:
called_computation_lowered:
.L_overlay_start_0:
0x88: {  	s2 =	sld [smem:$0x3FD9]  }
0x89: {  	s3 =	sld [smem:$0x3FFE];
	_ =	sdelay $0x1  }
0x8a: {  	s1 =	srdreg.scid  }
0x8b: {  	s0 =	sand.u32 $0x1, s1  }
0x8c: {  	s17 =	sshll.u32 s0, $0xA;
	s2 =	sadd.s32 s3, s2  }
0x8d: {  	s2 =	sadd.s32 s2, s17  }
0x8e: {  	[smem:$0x3FC6] =	sst s2  }
0x8f: {  	_ = 	snop  }
0x90: {  	s2 =	sld [smem:$0x3FD0];
	(tm) =	ssettm $0x1  }
0x91: {  	s18 =	sld [smem:$0x3FFB];
	_ =	sdelay $0x3  }
0x92: {  	_ =	strace s18  }
0x93: {  	s3 =	sld [smem:$0x3FFC];
	_ =	sdelay $0x3  }
0x94: {  	_ =	strace s3  }
0x95: {  	s3 =	sld [smem:$0x3FFD];
	_ =	sdelay $0x3  }
0x96: {  	_ =	strace s3  }
0x97: {  	_ =	strace $0x8FFFFFFF  }
0x98: {  	s19 =	sld [smem:$0x3FDB];
	_ =	sdelay $0x1  }
0x99: {  	s4 =	simm.s32 $_scs_section_size  }
0x9a: {  	s5 =	simm.s32 $_size__tile_overlayer_lowered;
	s6 =	simm.s32 $_tile_overlayer_lowered  }
0x9b: {  	s22 =	simm.s32 $0x1BFF;
	s21 =	sshll.u32 s6, $0x1;
	s3 =	sadd.s32 s4, s19  }
0x9c: {  	s7 =	simm.s32 $0x0;
	s20 =	sshll.u32 s5, $0x1;
	s5 =	sadd.s32 s21, s3  }
0x9d: {  	[timem:s7], [sflag:s22] =	dma.local [hbm:s5], s20  }
0x9e: {  	_ =	swait.ge [sflag:s22], s20  }
0x9f: {  	s4 =	ssub.s32 $0x0, s20;
	[sflag:s22] =	ssyncset.done $0x0  }
0xa0: {  	[sflag:s22] =	ssyncadd.s32 s4;
	_ =	sdelay $0x1  }
0xa1: {  	s23 =	simm.s32 $0x1B8B  }
0xa2: {  	_ =	swait.ge [sflag:s23], $0x1  }
0xa3: {  	[sflag:s23] =	ssyncset.done $0x0  }
0xa4: {  	s25 =	simm.s32 $0x1B8E;
	s24 =	sld [smem:$0x3FFE];
	[sflag:s23] =	ssyncadd.s32 $0xFFFFFFFF  }
0xa5: {  	s26 =	simm.s32 $execute0_lowered;
	[smem:$0x3FD2] =	sst s25  }
0xa6: {  	s5 =	sshll.u32 s26, $0x1;
	_ =	strace $0x80000046;
	[dreg:$0x1] =	wrdreg $0xFFFFFFFF  }
0xa7: {  	s28 =	simm.s32 $_size_execute0_lowered;
	s3 =	sadd.s32 s3, s5;
	[dreg:$0x0] =	wrdreg $0x0  }
0xa8: {  	s5 =	sshll.u32 s28, $0x1;
	[dreg:$0x2] =	wrdreg s3  }
0xa9: {  	[dreg:$0x3] =	wrdreg s5  }
0xaa: {  	[dreg:$0x4] =	wrdreg $0xC0  }
0xab: {  	_ =	task [dreg:s7], $0x5FFFF  }
0xac: {  	[dreg:$0x1] =	wrdreg $0xFFFFFFFF  }
0xad: {  	[dreg:$0x0] =	wrdreg $0x60  }
0xae: {  	[dreg:$0x2] =	wrdreg s24  }
0xaf: {  	[dreg:$0x3] =	wrdreg s2  }
0xb0: {  	[dreg:$0x4] =	wrdreg $0x9  }
0xb1: {  	_ =	task.clear_ibuf [dreg:s7], $0x5FFFF;
	_ =	strace $0x90000046  }
0xb2: {  	s29 =	simm.s32 $0x9;
	_ =	strace $0x80000048  }
0xb3: {  	_ =	swait.ge [sflag:s29], $0x1  }
0xb4: {  	[sflag:s29] =	ssyncadd.s32 $0xFFFFFFFF  }
0xb5: {  	_ =	strace $0x90000048  }
0xb6: {  	_ =	sfence  }
0xb7: {  	s30 =	sld [smem:$0x0];
	_ =	sdelay $0x2  }
0xb8: {  	s31 =	sshll.u32 s1, $0xD;
	s1 =	sshrl.u32 s1, $0x2  }
0xb9: {  	s3 =	sand.u32 $0x4000, s31;
	s1 =	sadd.s32 s1, s30  }
0xba: {  	s0 =	sor.u32 s3, s0;
	s1 =	sshll.u32 s1, $0x11  }
0xbb: {  	s0 =	sor.u32 s1, s0  }
0xbc: {  	s0 =	sadd.s32 $0x8F2B, s0  }
0xbd: {  	[sflag:s0] =	ssyncadd.remote.s32 $0x1  }
0xbe: {  	_ =	sfence.sel $0xFFFF  }
0xbf: {  	[dreg:$0x0] =	wrdreg $0xFFFFFFFF;
	(pc) =	sbr.abs _section_cstart, $3  }
0xc0: {  	[dreg:$0x1] =	wrdreg $0xFFFFFFFF  }
0xc1: {  	_ =	task.clear_ibuf [dreg:s7], $0x2FFFF;
	_ =	strace $0x9FFFFFFF  }
0xc2: {  	(tm) =	ssettm $0x7FFFFFFF  }
0xc3: {  	_ =	shalt  }
tec
execute0_lowered:
.L_overlay_start_1:
0x0: {  	(tag) =	ssettag $0x1  }
0x1: {  	s0 =	stileid.u32  }
0x2: {  	s1 =	srdreg.scid;
	s2 =	sshll.u32 s0, $0x1  }
0x3: {  	s15 =	sand.u32 $0x1, s1;
	s29 =	sand.u32 $0x6, s2  }
0x4: {  	s5 =	rddreg [dreg:$0x0];
	s16 =	sor.u32 s15, s29  }
0x5: {  	s14 =	rddreg [dreg:$0x1];
	s2 =	simm.s32 $0x0;
	s3 =	sshll.u32 s16, $0x6  }
0x6: {  	s4 =	simm.s32 $0x2;
	[smem:$0x7FF] =	sst s2;
	s3 =	sadd.s32 s3, s5  }
0x7: {  	s1 =	rddreg [dreg:$0x2];
	_ =	strace $0x80000047;
	s3 =	sadd.s32 $0xC00, s3  }
0x8: {  	[tilespmem:s2], [sflag:$0x2] =	stream.linear.gather [hbm4b:s3+s2], $0x200, $0x38;
	[tilespmem:$0x10200] =	vst v63  }
0x9: {  	_ =	swait.ge [sflag:s4], $0x200  }
0xa: {  	s6 =	simm.s32 $0x80;
	[sflag:s4] =	ssyncset.done $0x0  }
0xb: {  	s7 =	simm.s32 $0x200;
	s5 =	sadd.s32 $0x400, s5;
	[sflag:s4] =	ssyncadd.s32 $0xFFFFFE00  }
0xc: {  	[tilespmem:s7], [sflag:$0x1] =	stream.indirect.gather [hbm4b:s5+s6], $0x80, s2, s6, $0xb8;
	[tilespmem:$0x10200] =	vst v63  }
0xd: {  	s8 =	simm.s32 $0x4200  }
0xe: {  	[tilespmem:s8], [sflag:$0x1] =	stream.indirect.gather [hbm4b:s5+s6], $0x80, s6, s6, $0xb8;
	[tilespmem:$0x10200] =	vst v63  }
0xf: {  	s9 =	simm.s32 $0x100;
	s10 =	simm.s32 $0x8200  }
0x10: {  	[tilespmem:s10], [sflag:$0x1] =	stream.indirect.gather [hbm4b:s5+s6], $0x80, s9, s6, $0xb8;
	[tilespmem:$0x10200] =	vst v63  }
0x11: {  	s11 =	simm.s32 $0x180;
	s13 =	simm.s32 $0xC200;
	s12 =	simm.s32 $0x1  }
0x12: {  	[tilespmem:s13], [sflag:$0x1] =	stream.indirect.gather [hbm4b:s5+s6], $0x80, s11, s6, $0xb8;
	[tilespmem:$0x10200] =	vst v63  }
0x13: {  	_ =	swait.ge [sflag:s12], $0x4000  }
0x14: {  	[sflag:s12] =	ssyncset.done $0x0  }
0x15: {  	[sflag:s12] =	ssyncadd.s32 $0xFFFFC000  }
0x16: {  	_ =	swait.ge [sflag:s12], $0x4000  }
0x17: {  	[sflag:s12] =	ssyncset.done $0x0  }
0x18: {  	[sflag:s12] =	ssyncadd.s32 $0xFFFFC000  }
0x19: {  	s17 =	sshll.u32 s0, $0xE;
	_ =	swait.ge [sflag:s12], $0x4000  }
0x1a: {  	s17 =	sand.u32 $0x30000, s17;
	[sflag:s12] =	ssyncset.done $0x0  }
0x1b: {  	s30 =	ssub.s32 $0x2, s15;
	s14 =	sadd.s32 s14, s17;
	[sflag:s12] =	ssyncadd.s32 $0xFFFFC000  }
0x1c: {  	s31 =	sshrl.u32 s30, $0x1;
	s16 =	sshll.u32 s16, $0xD;
	_ =	swait.ge [sflag:s12], $0x4000  }
0x1d: {  	s14 =	sadd.s32 s16, s14;
	s16 =	ssub.s32 s30, s31;
	[sflag:s12] =	ssyncset.done $0x0  }
0x1e: {  	s16 =	smax.u32 s16, $0x1;
	[sflag:s12] =	ssyncadd.s32 $0xFFFFC000  }
0x1f: {  	[hbm4b:s14+s2] =	stream.linear.scatter [tilespmem:s7], [sflag:$0x1], $0x10000, $0x38;
	[tilespmem:$0x10200] =	vst v63  }
0x20: {  	s15 =	sadd.s32 $0x40000, s14;
	p0 =	sne.s32 s16, $0x1  }
0x21: {  	[hbm4b:s15+s2] =	stream.linear.scatter [tilespmem:s7], [sflag:$0x1], $0x10000, $0x38;
	[tilespmem:$0x10200] =	vst v63  }
.Ltmp0:
0x22: {  	_ =	swait.ge [sflag:s12], $0x10000;
	(pc) =	sbr.rel @!p0 .LBB2_2-.Ltmp0, $4  }
0x23: {  	[sflag:s12] =	ssyncset.done $0x0  }
0x24: {  	[sflag:s12] =	ssyncadd.s32 $0xFFFF0000  }
0x25: {  	_ =	swait.ge [sflag:s12], $0x10000  }
0x26: {  	s16 =	sadd.s32 $0xFFFFFFFF, s16;
	[sflag:s12] =	ssyncset.done $0x0  }
.LBB2_1:
0x27: {  	p0 =	sne.s32 s16, $0x1;
	s16 =	sadd.s32 $0xFFFFFFFF, s16;
	[sflag:s12] =	ssyncadd.s32 $0xFFFF0000  }
0x28: {  	[tilespmem:s2], [sflag:$0x2] =	stream.linear.gather [hbm4b:s3+s2], $0x200, $0x38;
	[tilespmem:$0x10200] =	vst v63  }
0x29: {  	_ =	swait.ge [sflag:s4], $0x200  }
0x2a: {  	[sflag:s4] =	ssyncset.done $0x0  }
0x2b: {  	[sflag:s4] =	ssyncadd.s32 $0xFFFFFE00  }
0x2c: {  	[tilespmem:s7], [sflag:$0x1] =	stream.indirect.gather [hbm4b:s5+s6], $0x80, s2, s6, $0xb8;
	[tilespmem:$0x10200] =	vst v63  }
0x2d: {  	_ = 	snop  }
0x2e: {  	[tilespmem:s8], [sflag:$0x1] =	stream.indirect.gather [hbm4b:s5+s6], $0x80, s6, s6, $0xb8;
	[tilespmem:$0x10200] =	vst v63  }
0x2f: {  	_ = 	snop  }
0x30: {  	[tilespmem:s10], [sflag:$0x1] =	stream.indirect.gather [hbm4b:s5+s6], $0x80, s9, s6, $0xb8;
	[tilespmem:$0x10200] =	vst v63  }
0x31: {  	_ = 	snop  }
0x32: {  	[tilespmem:s13], [sflag:$0x1] =	stream.indirect.gather [hbm4b:s5+s6], $0x80, s11, s6, $0xb8;
	[tilespmem:$0x10200] =	vst v63  }
0x33: {  	_ =	swait.ge [sflag:s12], $0x4000  }
0x34: {  	[sflag:s12] =	ssyncset.done $0x0  }
0x35: {  	[sflag:s12] =	ssyncadd.s32 $0xFFFFC000  }
0x36: {  	_ =	swait.ge [sflag:s12], $0x4000  }
0x37: {  	[sflag:s12] =	ssyncset.done $0x0  }
0x38: {  	[sflag:s12] =	ssyncadd.s32 $0xFFFFC000  }
0x39: {  	_ =	swait.ge [sflag:s12], $0x4000  }
0x3a: {  	[sflag:s12] =	ssyncset.done $0x0  }
0x3b: {  	[sflag:s12] =	ssyncadd.s32 $0xFFFFC000  }
0x3c: {  	_ =	swait.ge [sflag:s12], $0x4000  }
0x3d: {  	[sflag:s12] =	ssyncset.done $0x0  }
0x3e: {  	[sflag:s12] =	ssyncadd.s32 $0xFFFFC000  }
0x3f: {  	[hbm4b:s14+s2] =	stream.linear.scatter [tilespmem:s7], [sflag:$0x1], $0x10000, $0x38;
	[tilespmem:$0x10200] =	vst v63  }
0x40: {  	_ = 	snop  }
0x41: {  	[hbm4b:s15+s2] =	stream.linear.scatter [tilespmem:s7], [sflag:$0x1], $0x10000, $0x38;
	[tilespmem:$0x10200] =	vst v63  }
.Ltmp1:
0x42: {  	_ =	swait.ge [sflag:s12], $0x10000;
	(pc) =	sbr.rel @p0 .LBB2_1-.Ltmp1, $4  }
0x43: {  	[sflag:s12] =	ssyncset.done $0x0  }
0x44: {  	[sflag:s12] =	ssyncadd.s32 $0xFFFF0000  }
0x45: {  	_ =	swait.ge [sflag:s12], $0x10000  }
0x46: {  	[sflag:s12] =	ssyncset.done $0x0  }
.LBB2_2:
0x47: {  	[sflag:s12] =	ssyncadd.s32 $0xFFFF0000  }
0x48: {  	_ =	sfence.sel $0x180000  }
0x49: {  	[bflag:$0x0] =	sbarrier.arrive $0xFFFF  }
0x4a: {  	p0 =	sne.s32 s0, $0x0;
	_ =	strace $0x90000047  }
0x4b: {  	s0 =	sadd.s32 @!p0 $0x100000, s1;
	[bflag:$0x2] =	sbarrier.arrive $0xFFFF  }
0x4c: {  	[sflag:s0] =	ssyncadd.tile.s32 @!p0 $0x1;
	_ =	shalt  }
.Lfunc_end2:
_tile_overlayer_lowered:
.L_overlay_start_2:
0x4d: {  	(tag) =	ssettag $0x2  }
0x4e: {  	s0 =	rddreg [dreg:$0x0];
	s2 =	stileid.u32  }
0x4f: {  	s1 =	rddreg [dreg:$0x1];
	p0 =	sne.s32 s2, $0x0  }
0x50: {  	s3 =	rddreg [dreg:$0x2];
	[bflag:$0x3] =	sbarrier.arrive $0xFFFF;
	s2 =	simm.s32 @!p0 $0x1C02  }
0x51: {  	[timem:s3], [sflag:s2] =	dma.local @!p0 [hbm:s0], s1  }
0x52: {  	s0 =	simm.s32 @!p0 $0x2  }
0x53: {  	_ =	swait.ge @!p0 [sflag:s0], s1  }
0x54: {  	s1 =	ssub.s32 @!p0 $0x0, s1;
	[sflag:s0] =	ssyncset.done @!p0 $0x0  }
0x55: {  	[sflag:s0] =	ssyncadd.s32 @!p0 s1  }
0x56: {  	[bflag:$0x3] =	sbarrier.arrive $0xFFFF  }
0x57: {  	_ =	shalt  }

</sc_bundles>
